<compile_context>
chip_gen: v7x
topology: tpu7x:2x2x1
jax: 0.10.2.dev20260603
libtpu: 0.0.44.dev20260713+nightly
codegen_flags: <defaults>
</compile_context>

<pallas_src>
import jax
import jax.numpy as jnp
from jax import lax
from jax.experimental import pallas as pl
from jax.experimental.pallas import tpu as pltpu
from jax.experimental.pallas import tpu_sc as plsc

N_STARS = 1000000
BATCH = 16384
N_FREQ = 200
EPS = 0.001

_NC = 2
_NS = 16
_NW = _NC * _NS
_BPW = BATCH // _NW
_L = 16


def _delta_gather_body(idx_hbm, hard_hbm, corr_hbm, out_hbm, idx_v, h_v, c_v, sem):
    wid = lax.axis_index("s") * _NC + lax.axis_index("c")
    base = wid * _BPW
    pltpu.sync_copy(idx_hbm.at[pl.ds(base, _BPW)], idx_v)
    cp_h = pltpu.async_copy(hard_hbm.at[idx_v], h_v, sem)
    cp_c = pltpu.async_copy(corr_hbm.at[idx_v], c_v, sem)
    cp_h.wait()
    cp_c.wait()
    eps = jnp.float32(EPS)
    for i in range(_BPW // _L):
        s = pl.ds(i * _L, _L)
        h_v[s] = jnp.maximum(h_v[s] + c_v[s], eps)
    pltpu.sync_copy(h_v, out_hbm.at[pl.ds(base, _BPW)])


def _gather_delta(star_indices, hard, corr):
    mesh = plsc.VectorSubcoreMesh(core_axis_name="c", subcore_axis_name="s")
    fn = pl.kernel(
        _delta_gather_body,
        mesh=mesh,
        out_type=jax.ShapeDtypeStruct((BATCH,), jnp.float32),
        scratch_types=[
            pltpu.VMEM((_BPW,), jnp.int32),
            pltpu.VMEM((_BPW,), jnp.float32),
            pltpu.VMEM((_BPW,), jnp.float32),
            pltpu.SemaphoreType.DMA,
        ],
    )
    return fn(star_indices, hard, corr)


_BS = 56
_GT = -(-N_FREQ // _BS)


def _mod_body(d_ref, f_ref, o_ref):
    o_ref[...] = jnp.mod(f_ref[...], d_ref[...][None, :])


def _apply_mod_t(freq_t, delta):
    return pl.pallas_call(
        _mod_body,
        grid=(_GT,),
        in_specs=[
            pl.BlockSpec((BATCH,), lambda i: (0,)),
            pl.BlockSpec((_BS, BATCH), lambda i: (i, 0)),
        ],
        out_specs=pl.BlockSpec((_BS, BATCH), lambda i: (i, 0)),
        out_shape=jax.ShapeDtypeStruct((N_FREQ, BATCH), jnp.float32),
    )(delta, freq_t)


def kernel(frequencies, star_indices, delta_nu_hard, delta_nu_corr):
    idx = star_indices.astype(jnp.int32)
    delta = _gather_delta(idx, delta_nu_hard, delta_nu_corr)
    out_t = _apply_mod_t(frequencies.T, delta)
    return out_t.T

# --- scband reference (transcript-rebuilt; emitter-appended) ---
"""Pipeline reference for scband-delta-nu-correction-14388140441863 (READ-ONLY COPY).

The authoritative reference and input builder live on the scoring server;
editing this copy changes nothing except your own understanding.
"""

import jax, jax.numpy as jnp
import numpy as np

N_STARS = 1000000
BATCH = 16384
N_FREQ = 200
EPS = 0.001


def setup_inputs(seed: int = 0) -> dict:
    key = jax.random.key(seed)
    k1, k2, k3 = jax.random.split(key, 3)
    frequencies = jax.random.uniform(k1, (BATCH, N_FREQ), dtype=jnp.float32)
    star_indices = jax.random.randint(k2, (BATCH,), 0, N_STARS, dtype=jnp.int64 if jax.config.jax_enable_x64 else jnp.int32)
    # learned / registered parameters sized per init_kwargs
    delta_nu_hard = jax.random.uniform(k3, (N_STARS,), dtype=jnp.float32)  # registered buffer
    delta_nu_corr = jnp.zeros((N_STARS,), dtype=jnp.float32)  # nn.Parameter initialized to zeros
    return {
        "frequencies": frequencies,
        "star_indices": star_indices,
        "delta_nu_hard": delta_nu_hard,
        "delta_nu_corr": delta_nu_corr,
    }


def reference(frequencies, star_indices, delta_nu_hard, delta_nu_corr):
    # gather per-star delta_nu rows (embedding-style lookup)
    delta = jnp.take(delta_nu_hard, star_indices, axis=0) + jnp.take(delta_nu_corr, star_indices, axis=0)
    delta = jnp.maximum(delta, EPS)  # clamp_min(eps)
    delta = delta[:, None]  # unsqueeze(1)
    mod_freq = jnp.mod(frequencies, delta)  # torch '%' on floats == Python-style modulo
    return mod_freq

if __name__ == "__main__":
    import jax
    _d = setup_inputs()
    print(jax.jit(kernel)(*tuple(_d.values())))

</pallas_src>

<mosaic_0001>
#map = affine_map<(d0, d1) -> (0)>
module attributes {stable_mosaic.version = 14 : i64} {
  func.func @_delta_gather_body(%arg0: i32, %arg1: i32, %arg2: memref<16384xi32, #tpu.memory_space<hbm>>, %arg3: memref<1000000xf32, #tpu.memory_space<hbm>>, %arg4: memref<1000000xf32, #tpu.memory_space<hbm>>, %arg5: memref<16384xf32, #tpu.memory_space<hbm>>, %arg6: memref<512xi32, #tpu.memory_space<vmem>>, %arg7: memref<512xf32, #tpu.memory_space<vmem>>, %arg8: memref<512xf32, #tpu.memory_space<vmem>>, %arg9: memref<!tpu.dma_semaphore, #tpu.memory_space<semaphore_mem>>) attributes {dimension_semantics = [#tpu.dimension_semantics<core_parallel>, #tpu.dimension_semantics<subcore_parallel>], iteration_bounds = array<i64: 2, 16>, scalar_prefetch = 0 : i64, scratch_operands = 4 : i64, tpu.core_type = #tpu.core_type<sc_vector_subcore>, window_params = [{transform_indices = #map}, {transform_indices = #map}, {transform_indices = #map}, {transform_indices = #map}]} {
    %mul3A = arith.constant 2 : i32
    %mul3A_0 = arith.muli %arg1, %mul3A : i32
    %add3A = arith.addi %mul3A_0, %arg0 : i32
    %mul3A_1 = arith.constant 512 : i32
    %mul3A_2 = arith.muli %add3A, %mul3A_1 : i32
    "tpu.region"() ({
      %run_scoped3A = tpu.sem_alloc : memref<!tpu.dma_semaphore, #tpu.memory_space<semaphore_mem>>
      %dma_start3A_454 = tpu.memref_slice %arg2[%mul3A_2] : memref<16384xi32, #tpu.memory_space<hbm>> -> memref<512xi32, #tpu.memory_space<hbm>>
      %dma_start3A_455 = tpu.memref_slice %arg2[%mul3A_2] : memref<16384xi32, #tpu.memory_space<hbm>> -> memref<512xi32, #tpu.memory_space<hbm>>
      tpu.enqueue_dma source(%dma_start3A_455 : memref<512xi32, #tpu.memory_space<hbm>>) target(%arg6 : memref<512xi32, #tpu.memory_space<vmem>>) target_semaphore(%run_scoped3A : memref<!tpu.dma_semaphore, #tpu.memory_space<semaphore_mem>>)
      %dma_wait3A_456 = tpu.memref_slice %arg2[%mul3A_2] : memref<16384xi32, #tpu.memory_space<hbm>> -> memref<512xi32, #tpu.memory_space<hbm>>
      %dma_wait3A_457 = tpu.memref_slice %arg2[%mul3A_2] : memref<16384xi32, #tpu.memory_space<hbm>> -> memref<512xi32, #tpu.memory_space<hbm>>
      tpu.wait_dma2 semaphore(%run_scoped3A : memref<!tpu.dma_semaphore, #tpu.memory_space<semaphore_mem>>) src(%dma_wait3A_457 : memref<512xi32, #tpu.memory_space<hbm>>) dst(%arg6 : memref<512xi32, #tpu.memory_space<vmem>>)
      tpu.yield
    }) : () -> ()
    %dma_start3A = arith.constant 0 : i32
    %dma_start3A_3 = tpu.memref_slice %arg3[%dma_start3A] : memref<1000000xf32, #tpu.memory_space<hbm>> -> memref<1000000xf32, #tpu.memory_space<hbm>>
    tpu.enqueue_indirect_dma source(%dma_start3A_3 : memref<1000000xf32, #tpu.memory_space<hbm>>) target(%arg7 : memref<512xf32, #tpu.memory_space<vmem>>) offsets(%arg6 : memref<512xi32, #tpu.memory_space<vmem>>) semaphore(%arg9 : memref<!tpu.dma_semaphore, #tpu.memory_space<semaphore_mem>>)
    %dma_start3A_4 = arith.constant 0 : i32
    %dma_start3A_5 = tpu.memref_slice %arg4[%dma_start3A_4] : memref<1000000xf32, #tpu.memory_space<hbm>> -> memref<1000000xf32, #tpu.memory_space<hbm>>
    tpu.enqueue_indirect_dma source(%dma_start3A_5 : memref<1000000xf32, #tpu.memory_space<hbm>>) target(%arg8 : memref<512xf32, #tpu.memory_space<vmem>>) offsets(%arg6 : memref<512xi32, #tpu.memory_space<vmem>>) semaphore(%arg9 : memref<!tpu.dma_semaphore, #tpu.memory_space<semaphore_mem>>)
    %dma_wait3A = arith.constant 0 : i32
    %dma_wait3A_6 = tpu.memref_slice %arg3[%dma_wait3A] : memref<1000000xf32, #tpu.memory_space<hbm>> -> memref<1000000xf32, #tpu.memory_space<hbm>>
    tpu.wait_indirect_dma semaphore(%arg9 : memref<!tpu.dma_semaphore, #tpu.memory_space<semaphore_mem>>) src(%dma_wait3A_6 : memref<1000000xf32, #tpu.memory_space<hbm>>) dst(%arg7 : memref<512xf32, #tpu.memory_space<vmem>>)
    %dma_wait3A_7 = arith.constant 0 : i32
    %dma_wait3A_8 = tpu.memref_slice %arg4[%dma_wait3A_7] : memref<1000000xf32, #tpu.memory_space<hbm>> -> memref<1000000xf32, #tpu.memory_space<hbm>>
    tpu.wait_indirect_dma semaphore(%arg9 : memref<!tpu.dma_semaphore, #tpu.memory_space<semaphore_mem>>) src(%dma_wait3A_8 : memref<1000000xf32, #tpu.memory_space<hbm>>) dst(%arg8 : memref<512xf32, #tpu.memory_space<vmem>>)
    %get3A = arith.constant 0 : index
    %get3A_9 = tpu.vector_load %arg7[%get3A] {strides = array<i32>} : memref<512xf32, #tpu.memory_space<vmem>>, vector<16xf32>,
    %get3A_10 = vector.shape_cast %get3A_9 : vector<16xf32> to vector<16xf32>
    %get3A_11 = arith.constant 0 : index
    %get3A_12 = tpu.vector_load %arg8[%get3A_11] {strides = array<i32>} : memref<512xf32, #tpu.memory_space<vmem>>, vector<16xf32>,
    %get3A_13 = vector.shape_cast %get3A_12 : vector<16xf32> to vector<16xf32>
    %add3A_14 = arith.addf %get3A_10, %get3A_13 : vector<16xf32>
    %max3A = arith.constant 1.000000e-03 : f32
    %max3A_15 = vector.broadcast %max3A : f32 to vector<16xf32>
    %max3A_16 = arith.maximumf %add3A_14, %max3A_15 : vector<16xf32>
    %swap3A = arith.constant 0 : index
    %swap3A_17 = tpu.vector_load %arg7[%swap3A] {strides = array<i32>} : memref<512xf32, #tpu.memory_space<vmem>>, vector<16xf32>,
    %swap3A_18 = vector.shape_cast %swap3A_17 : vector<16xf32> to vector<16xf32>
    %swap3A_19 = vector.shape_cast %max3A_16 : vector<16xf32> to vector<16xf32>
    tpu.vector_store %arg7[%swap3A], %swap3A_19 {strides = array<i32>} : memref<512xf32, #tpu.memory_space<vmem>>, vector<16xf32>,
    %get3A_20 = arith.constant 16 : index
    %get3A_21 = tpu.vector_load %arg7[%get3A_20] {strides = array<i32>} : memref<512xf32, #tpu.memory_space<vmem>>, vector<16xf32>,
    %get3A_22 = vector.shape_cast %get3A_21 : vector<16xf32> to vector<16xf32>
    %get3A_23 = arith.constant 16 : index
    %get3A_24 = tpu.vector_load %arg8[%get3A_23] {strides = array<i32>} : memref<512xf32, #tpu.memory_space<vmem>>, vector<16xf32>,
    %get3A_25 = vector.shape_cast %get3A_24 : vector<16xf32> to vector<16xf32>
    %add3A_26 = arith.addf %get3A_22, %get3A_25 : vector<16xf32>
    %max3A_27 = arith.constant 1.000000e-03 : f32
    %max3A_28 = vector.broadcast %max3A_27 : f32 to vector<16xf32>
    %max3A_29 = arith.maximumf %add3A_26, %max3A_28 : vector<16xf32>
    %swap3A_30 = arith.constant 16 : index
    %swap3A_31 = tpu.vector_load %arg7[%swap3A_30] {strides = array<i32>} : memref<512xf32, #tpu.memory_space<vmem>>, vector<16xf32>,
    %swap3A_32 = vector.shape_cast %swap3A_31 : vector<16xf32> to vector<16xf32>
    %swap3A_33 = vector.shape_cast %max3A_29 : vector<16xf32> to vector<16xf32>
    tpu.vector_store %arg7[%swap3A_30], %swap3A_33 {strides = array<i32>} : memref<512xf32, #tpu.memory_space<vmem>>, vector<16xf32>,
    %get3A_34 = arith.constant 32 : index
    %get3A_35 = tpu.vector_load %arg7[%get3A_34] {strides = array<i32>} : memref<512xf32, #tpu.memory_space<vmem>>, vector<16xf32>,
    %get3A_36 = vector.shape_cast %get3A_35 : vector<16xf32> to vector<16xf32>
    %get3A_37 = arith.constant 32 : index
    %get3A_38 = tpu.vector_load %arg8[%get3A_37] {strides = array<i32>} : memref<512xf32, #tpu.memory_space<vmem>>, vector<16xf32>,
    %get3A_39 = vector.shape_cast %get3A_38 : vector<16xf32> to vector<16xf32>
    %add3A_40 = arith.addf %get3A_36, %get3A_39 : vector<16xf32>
    %max3A_41 = arith.constant 1.000000e-03 : f32
    %max3A_42 = vector.broadcast %max3A_41 : f32 to vector<16xf32>
    %max3A_43 = arith.maximumf %add3A_40, %max3A_42 : vector<16xf32>
    %swap3A_44 = arith.constant 32 : index
    %swap3A_45 = tpu.vector_load %arg7[%swap3A_44] {strides = array<i32>} : memref<512xf32, #tpu.memory_space<vmem>>, vector<16xf32>,
    %swap3A_46 = vector.shape_cast %swap3A_45 : vector<16xf32> to vector<16xf32>
    %swap3A_47 = vector.shape_cast %max3A_43 : vector<16xf32> to vector<16xf32>
    tpu.vector_store %arg7[%swap3A_44], %swap3A_47 {strides = array<i32>} : memref<512xf32, #tpu.memory_space<vmem>>, vector<16xf32>,
    %get3A_48 = arith.constant 48 : index
    %get3A_49 = tpu.vector_load %arg7[%get3A_48] {strides = array<i32>} : memref<512xf32, #tpu.memory_space<vmem>>, vector<16xf32>,
    %get3A_50 = vector.shape_cast %get3A_49 : vector<16xf32> to vector<16xf32>
    %get3A_51 = arith.constant 48 : index
    %get3A_52 = tpu.vector_load %arg8[%get3A_51] {strides = array<i32>} : memref<512xf32, #tpu.memory_space<vmem>>, vector<16xf32>,
    %get3A_53 = vector.shape_cast %get3A_52 : vector<16xf32> to vector<16xf32>
    %add3A_54 = arith.addf %get3A_50, %get3A_53 : vector<16xf32>
    %max3A_55 = arith.constant 1.000000e-03 : f32
    %max3A_56 = vector.broadcast %max3A_55 : f32 to vector<16xf32>
    %max3A_57 = arith.maximumf %add3A_54, %max3A_56 : vector<16xf32>
    %swap3A_58 = arith.constant 48 : index
    %swap3A_59 = tpu.vector_load %arg7[%swap3A_58] {strides = array<i32>} : memref<512xf32, #tpu.memory_space<vmem>>, vector<16xf32>,
    %swap3A_60 = vector.shape_cast %swap3A_59 : vector<16xf32> to vector<16xf32>
    %swap3A_61 = vector.shape_cast %max3A_57 : vector<16xf32> to vector<16xf32>
    tpu.vector_store %arg7[%swap3A_58], %swap3A_61 {strides = array<i32>} : memref<512xf32, #tpu.memory_space<vmem>>, vector<16xf32>,
    %get3A_62 = arith.constant 64 : index
    %get3A_63 = tpu.vector_load %arg7[%get3A_62] {strides = array<i32>} : memref<512xf32, #tpu.memory_space<vmem>>, vector<16xf32>,
    %get3A_64 = vector.shape_cast %get3A_63 : vector<16xf32> to vector<16xf32>
    %get3A_65 = arith.constant 64 : index
    %get3A_66 = tpu.vector_load %arg8[%get3A_65] {strides = array<i32>} : memref<512xf32, #tpu.memory_space<vmem>>, vector<16xf32>,
    %get3A_67 = vector.shape_cast %get3A_66 : vector<16xf32> to vector<16xf32>
    %add3A_68 = arith.addf %get3A_64, %get3A_67 : vector<16xf32>
    %max3A_69 = arith.constant 1.000000e-03 : f32
    %max3A_70 = vector.broadcast %max3A_69 : f32 to vector<16xf32>
    %max3A_71 = arith.maximumf %add3A_68, %max3A_70 : vector<16xf32>
    %swap3A_72 = arith.constant 64 : index
    %swap3A_73 = tpu.vector_load %arg7[%swap3A_72] {strides = array<i32>} : memref<512xf32, #tpu.memory_space<vmem>>, vector<16xf32>,
    %swap3A_74 = vector.shape_cast %swap3A_73 : vector<16xf32> to vector<16xf32>
    %swap3A_75 = vector.shape_cast %max3A_71 : vector<16xf32> to vector<16xf32>
    tpu.vector_store %arg7[%swap3A_72], %swap3A_75 {strides = array<i32>} : memref<512xf32, #tpu.memory_space<vmem>>, vector<16xf32>,
    %get3A_76 = arith.constant 80 : index
    %get3A_77 = tpu.vector_load %arg7[%get3A_76] {strides = array<i32>} : memref<512xf32, #tpu.memory_space<vmem>>, vector<16xf32>,
    %get3A_78 = vector.shape_cast %get3A_77 : vector<16xf32> to vector<16xf32>
    %get3A_79 = arith.constant 80 : index
    %get3A_80 = tpu.vector_load %arg8[%get3A_79] {strides = array<i32>} : memref<512xf32, #tpu.memory_space<vmem>>, vector<16xf32>,
    %get3A_81 = vector.shape_cast %get3A_80 : vector<16xf32> to vector<16xf32>
    %add3A_82 = arith.addf %get3A_78, %get3A_81 : vector<16xf32>
    %max3A_83 = arith.constant 1.000000e-03 : f32
    %max3A_84 = vector.broadcast %max3A_83 : f32 to vector<16xf32>
    %max3A_85 = arith.maximumf %add3A_82, %max3A_84 : vector<16xf32>
    %swap3A_86 = arith.constant 80 : index
    %swap3A_87 = tpu.vector_load %arg7[%swap3A_86] {strides = array<i32>} : memref<512xf32, #tpu.memory_space<vmem>>, vector<16xf32>,
    %swap3A_88 = vector.shape_cast %swap3A_87 : vector<16xf32> to vector<16xf32>
    %swap3A_89 = vector.shape_cast %max3A_85 : vector<16xf32> to vector<16xf32>
    tpu.vector_store %arg7[%swap3A_86], %swap3A_89 {strides = array<i32>} : memref<512xf32, #tpu.memory_space<vmem>>, vector<16xf32>,
    %get3A_90 = arith.constant 96 : index
    %get3A_91 = tpu.vector_load %arg7[%get3A_90] {strides = array<i32>} : memref<512xf32, #tpu.memory_space<vmem>>, vector<16xf32>,
    %get3A_92 = vector.shape_cast %get3A_91 : vector<16xf32> to vector<16xf32>
    %get3A_93 = arith.constant 96 : index
    %get3A_94 = tpu.vector_load %arg8[%get3A_93] {strides = array<i32>} : memref<512xf32, #tpu.memory_space<vmem>>, vector<16xf32>,
    %get3A_95 = vector.shape_cast %get3A_94 : vector<16xf32> to vector<16xf32>
    %add3A_96 = arith.addf %get3A_92, %get3A_95 : vector<16xf32>
    %max3A_97 = arith.constant 1.000000e-03 : f32
    %max3A_98 = vector.broadcast %max3A_97 : f32 to vector<16xf32>
    %max3A_99 = arith.maximumf %add3A_96, %max3A_98 : vector<16xf32>
    %swap3A_100 = arith.constant 96 : index
    %swap3A_101 = tpu.vector_load %arg7[%swap3A_100] {strides = array<i32>} : memref<512xf32, #tpu.memory_space<vmem>>, vector<16xf32>,
    %swap3A_102 = vector.shape_cast %swap3A_101 : vector<16xf32> to vector<16xf32>
    %swap3A_103 = vector.shape_cast %max3A_99 : vector<16xf32> to vector<16xf32>
    tpu.vector_store %arg7[%swap3A_100], %swap3A_103 {strides = array<i32>} : memref<512xf32, #tpu.memory_space<vmem>>, vector<16xf32>,
    %get3A_104 = arith.constant 112 : index
    %get3A_105 = tpu.vector_load %arg7[%get3A_104] {strides = array<i32>} : memref<512xf32, #tpu.memory_space<vmem>>, vector<16xf32>,
    %get3A_106 = vector.shape_cast %get3A_105 : vector<16xf32> to vector<16xf32>
    %get3A_107 = arith.constant 112 : index
    %get3A_108 = tpu.vector_load %arg8[%get3A_107] {strides = array<i32>} : memref<512xf32, #tpu.memory_space<vmem>>, vector<16xf32>,
    %get3A_109 = vector.shape_cast %get3A_108 : vector<16xf32> to vector<16xf32>
    %add3A_110 = arith.addf %get3A_106, %get3A_109 : vector<16xf32>
    %max3A_111 = arith.constant 1.000000e-03 : f32
    %max3A_112 = vector.broadcast %max3A_111 : f32 to vector<16xf32>
    %max3A_113 = arith.maximumf %add3A_110, %max3A_112 : vector<16xf32>
    %swap3A_114 = arith.constant 112 : index
    %swap3A_115 = tpu.vector_load %arg7[%swap3A_114] {strides = array<i32>} : memref<512xf32, #tpu.memory_space<vmem>>, vector<16xf32>,
    %swap3A_116 = vector.shape_cast %swap3A_115 : vector<16xf32> to vector<16xf32>
    %swap3A_117 = vector.shape_cast %max3A_113 : vector<16xf32> to vector<16xf32>
    tpu.vector_store %arg7[%swap3A_114], %swap3A_117 {strides = array<i32>} : memref<512xf32, #tpu.memory_space<vmem>>, vector<16xf32>,
    %get3A_118 = arith.constant 128 : index
    %get3A_119 = tpu.vector_load %arg7[%get3A_118] {strides = array<i32>} : memref<512xf32, #tpu.memory_space<vmem>>, vector<16xf32>,
    %get3A_120 = vector.shape_cast %get3A_119 : vector<16xf32> to vector<16xf32>
    %get3A_121 = arith.constant 128 : index
    %get3A_122 = tpu.vector_load %arg8[%get3A_121] {strides = array<i32>} : memref<512xf32, #tpu.memory_space<vmem>>, vector<16xf32>,
    %get3A_123 = vector.shape_cast %get3A_122 : vector<16xf32> to vector<16xf32>
    %add3A_124 = arith.addf %get3A_120, %get3A_123 : vector<16xf32>
    %max3A_125 = arith.constant 1.000000e-03 : f32
    %max3A_126 = vector.broadcast %max3A_125 : f32 to vector<16xf32>
    %max3A_127 = arith.maximumf %add3A_124, %max3A_126 : vector<16xf32>
    %swap3A_128 = arith.constant 128 : index
    %swap3A_129 = tpu.vector_load %arg7[%swap3A_128] {strides = array<i32>} : memref<512xf32, #tpu.memory_space<vmem>>, vector<16xf32>,
    %swap3A_130 = vector.shape_cast %swap3A_129 : vector<16xf32> to vector<16xf32>
    %swap3A_131 = vector.shape_cast %max3A_127 : vector<16xf32> to vector<16xf32>
    tpu.vector_store %arg7[%swap3A_128], %swap3A_131 {strides = array<i32>} : memref<512xf32, #tpu.memory_space<vmem>>, vector<16xf32>,
    %get3A_132 = arith.constant 144 : index
    %get3A_133 = tpu.vector_load %arg7[%get3A_132] {strides = array<i32>} : memref<512xf32, #tpu.memory_space<vmem>>, vector<16xf32>,
    %get3A_134 = vector.shape_cast %get3A_133 : vector<16xf32> to vector<16xf32>
    %get3A_135 = arith.constant 144 : index
    %get3A_136 = tpu.vector_load %arg8[%get3A_135] {strides = array<i32>} : memref<512xf32, #tpu.memory_space<vmem>>, vector<16xf32>,
    %get3A_137 = vector.shape_cast %get3A_136 : vector<16xf32> to vector<16xf32>
    %add3A_138 = arith.addf %get3A_134, %get3A_137 : vector<16xf32>
    %max3A_139 = arith.constant 1.000000e-03 : f32
    %max3A_140 = vector.broadcast %max3A_139 : f32 to vector<16xf32>
    %max3A_141 = arith.maximumf %add3A_138, %max3A_140 : vector<16xf32>
    %swap3A_142 = arith.constant 144 : index
    %swap3A_143 = tpu.vector_load %arg7[%swap3A_142] {strides = array<i32>} : memref<512xf32, #tpu.memory_space<vmem>>, vector<16xf32>,
    %swap3A_144 = vector.shape_cast %swap3A_143 : vector<16xf32> to vector<16xf32>
    %swap3A_145 = vector.shape_cast %max3A_141 : vector<16xf32> to vector<16xf32>
    tpu.vector_store %arg7[%swap3A_142], %swap3A_145 {strides = array<i32>} : memref<512xf32, #tpu.memory_space<vmem>>, vector<16xf32>,
    %get3A_146 = arith.constant 160 : index
    %get3A_147 = tpu.vector_load %arg7[%get3A_146] {strides = array<i32>} : memref<512xf32, #tpu.memory_space<vmem>>, vector<16xf32>,
    %get3A_148 = vector.shape_cast %get3A_147 : vector<16xf32> to vector<16xf32>
    %get3A_149 = arith.constant 160 : index
    %get3A_150 = tpu.vector_load %arg8[%get3A_149] {strides = array<i32>} : memref<512xf32, #tpu.memory_space<vmem>>, vector<16xf32>,
    %get3A_151 = vector.shape_cast %get3A_150 : vector<16xf32> to vector<16xf32>
    %add3A_152 = arith.addf %get3A_148, %get3A_151 : vector<16xf32>
    %max3A_153 = arith.constant 1.000000e-03 : f32
    %max3A_154 = vector.broadcast %max3A_153 : f32 to vector<16xf32>
    %max3A_155 = arith.maximumf %add3A_152, %max3A_154 : vector<16xf32>
    %swap3A_156 = arith.constant 160 : index
    %swap3A_157 = tpu.vector_load %arg7[%swap3A_156] {strides = array<i32>} : memref<512xf32, #tpu.memory_space<vmem>>, vector<16xf32>,
    %swap3A_158 = vector.shape_cast %swap3A_157 : vector<16xf32> to vector<16xf32>
    %swap3A_159 = vector.shape_cast %max3A_155 : vector<16xf32> to vector<16xf32>
    tpu.vector_store %arg7[%swap3A_156], %swap3A_159 {strides = array<i32>} : memref<512xf32, #tpu.memory_space<vmem>>, vector<16xf32>,
    %get3A_160 = arith.constant 176 : index
    %get3A_161 = tpu.vector_load %arg7[%get3A_160] {strides = array<i32>} : memref<512xf32, #tpu.memory_space<vmem>>, vector<16xf32>,
    %get3A_162 = vector.shape_cast %get3A_161 : vector<16xf32> to vector<16xf32>
    %get3A_163 = arith.constant 176 : index
    %get3A_164 = tpu.vector_load %arg8[%get3A_163] {strides = array<i32>} : memref<512xf32, #tpu.memory_space<vmem>>, vector<16xf32>,
    %get3A_165 = vector.shape_cast %get3A_164 : vector<16xf32> to vector<16xf32>
    %add3A_166 = arith.addf %get3A_162, %get3A_165 : vector<16xf32>
    %max3A_167 = arith.constant 1.000000e-03 : f32
    %max3A_168 = vector.broadcast %max3A_167 : f32 to vector<16xf32>
    %max3A_169 = arith.maximumf %add3A_166, %max3A_168 : vector<16xf32>
    %swap3A_170 = arith.constant 176 : index
    %swap3A_171 = tpu.vector_load %arg7[%swap3A_170] {strides = array<i32>} : memref<512xf32, #tpu.memory_space<vmem>>, vector<16xf32>,
    %swap3A_172 = vector.shape_cast %swap3A_171 : vector<16xf32> to vector<16xf32>
    %swap3A_173 = vector.shape_cast %max3A_169 : vector<16xf32> to vector<16xf32>
    tpu.vector_store %arg7[%swap3A_170], %swap3A_173 {strides = array<i32>} : memref<512xf32, #tpu.memory_space<vmem>>, vector<16xf32>,
    %get3A_174 = arith.constant 192 : index
    %get3A_175 = tpu.vector_load %arg7[%get3A_174] {strides = array<i32>} : memref<512xf32, #tpu.memory_space<vmem>>, vector<16xf32>,
    %get3A_176 = vector.shape_cast %get3A_175 : vector<16xf32> to vector<16xf32>
    %get3A_177 = arith.constant 192 : index
    %get3A_178 = tpu.vector_load %arg8[%get3A_177] {strides = array<i32>} : memref<512xf32, #tpu.memory_space<vmem>>, vector<16xf32>,
    %get3A_179 = vector.shape_cast %get3A_178 : vector<16xf32> to vector<16xf32>
    %add3A_180 = arith.addf %get3A_176, %get3A_179 : vector<16xf32>
    %max3A_181 = arith.constant 1.000000e-03 : f32
    %max3A_182 = vector.broadcast %max3A_181 : f32 to vector<16xf32>
    %max3A_183 = arith.maximumf %add3A_180, %max3A_182 : vector<16xf32>
    %swap3A_184 = arith.constant 192 : index
    %swap3A_185 = tpu.vector_load %arg7[%swap3A_184] {strides = array<i32>} : memref<512xf32, #tpu.memory_space<vmem>>, vector<16xf32>,
    %swap3A_186 = vector.shape_cast %swap3A_185 : vector<16xf32> to vector<16xf32>
    %swap3A_187 = vector.shape_cast %max3A_183 : vector<16xf32> to vector<16xf32>
    tpu.vector_store %arg7[%swap3A_184], %swap3A_187 {strides = array<i32>} : memref<512xf32, #tpu.memory_space<vmem>>, vector<16xf32>,
    %get3A_188 = arith.constant 208 : index
    %get3A_189 = tpu.vector_load %arg7[%get3A_188] {strides = array<i32>} : memref<512xf32, #tpu.memory_space<vmem>>, vector<16xf32>,
    %get3A_190 = vector.shape_cast %get3A_189 : vector<16xf32> to vector<16xf32>
    %get3A_191 = arith.constant 208 : index
    %get3A_192 = tpu.vector_load %arg8[%get3A_191] {strides = array<i32>} : memref<512xf32, #tpu.memory_space<vmem>>, vector<16xf32>,
    %get3A_193 = vector.shape_cast %get3A_192 : vector<16xf32> to vector<16xf32>
    %add3A_194 = arith.addf %get3A_190, %get3A_193 : vector<16xf32>
    %max3A_195 = arith.constant 1.000000e-03 : f32
    %max3A_196 = vector.broadcast %max3A_195 : f32 to vector<16xf32>
    %max3A_197 = arith.maximumf %add3A_194, %max3A_196 : vector<16xf32>
    %swap3A_198 = arith.constant 208 : index
    %swap3A_199 = tpu.vector_load %arg7[%swap3A_198] {strides = array<i32>} : memref<512xf32, #tpu.memory_space<vmem>>, vector<16xf32>,
    %swap3A_200 = vector.shape_cast %swap3A_199 : vector<16xf32> to vector<16xf32>
    %swap3A_201 = vector.shape_cast %max3A_197 : vector<16xf32> to vector<16xf32>
    tpu.vector_store %arg7[%swap3A_198], %swap3A_201 {strides = array<i32>} : memref<512xf32, #tpu.memory_space<vmem>>, vector<16xf32>,
    %get3A_202 = arith.constant 224 : index
    %get3A_203 = tpu.vector_load %arg7[%get3A_202] {strides = array<i32>} : memref<512xf32, #tpu.memory_space<vmem>>, vector<16xf32>,
    %get3A_204 = vector.shape_cast %get3A_203 : vector<16xf32> to vector<16xf32>
    %get3A_205 = arith.constant 224 : index
    %get3A_206 = tpu.vector_load %arg8[%get3A_205] {strides = array<i32>} : memref<512xf32, #tpu.memory_space<vmem>>, vector<16xf32>,
    %get3A_207 = vector.shape_cast %get3A_206 : vector<16xf32> to vector<16xf32>
    %add3A_208 = arith.addf %get3A_204, %get3A_207 : vector<16xf32>
    %max3A_209 = arith.constant 1.000000e-03 : f32
    %max3A_210 = vector.broadcast %max3A_209 : f32 to vector<16xf32>
    %max3A_211 = arith.maximumf %add3A_208, %max3A_210 : vector<16xf32>
    %swap3A_212 = arith.constant 224 : index
    %swap3A_213 = tpu.vector_load %arg7[%swap3A_212] {strides = array<i32>} : memref<512xf32, #tpu.memory_space<vmem>>, vector<16xf32>,
    %swap3A_214 = vector.shape_cast %swap3A_213 : vector<16xf32> to vector<16xf32>
    %swap3A_215 = vector.shape_cast %max3A_211 : vector<16xf32> to vector<16xf32>
    tpu.vector_store %arg7[%swap3A_212], %swap3A_215 {strides = array<i32>} : memref<512xf32, #tpu.memory_space<vmem>>, vector<16xf32>,
    %get3A_216 = arith.constant 240 : index
    %get3A_217 = tpu.vector_load %arg7[%get3A_216] {strides = array<i32>} : memref<512xf32, #tpu.memory_space<vmem>>, vector<16xf32>,
    %get3A_218 = vector.shape_cast %get3A_217 : vector<16xf32> to vector<16xf32>
    %get3A_219 = arith.constant 240 : index
    %get3A_220 = tpu.vector_load %arg8[%get3A_219] {strides = array<i32>} : memref<512xf32, #tpu.memory_space<vmem>>, vector<16xf32>,
    %get3A_221 = vector.shape_cast %get3A_220 : vector<16xf32> to vector<16xf32>
    %add3A_222 = arith.addf %get3A_218, %get3A_221 : vector<16xf32>
    %max3A_223 = arith.constant 1.000000e-03 : f32
    %max3A_224 = vector.broadcast %max3A_223 : f32 to vector<16xf32>
    %max3A_225 = arith.maximumf %add3A_222, %max3A_224 : vector<16xf32>
    %swap3A_226 = arith.constant 240 : index
    %swap3A_227 = tpu.vector_load %arg7[%swap3A_226] {strides = array<i32>} : memref<512xf32, #tpu.memory_space<vmem>>, vector<16xf32>,
    %swap3A_228 = vector.shape_cast %swap3A_227 : vector<16xf32> to vector<16xf32>
    %swap3A_229 = vector.shape_cast %max3A_225 : vector<16xf32> to vector<16xf32>
    tpu.vector_store %arg7[%swap3A_226], %swap3A_229 {strides = array<i32>} : memref<512xf32, #tpu.memory_space<vmem>>, vector<16xf32>,
    %get3A_230 = arith.constant 256 : index
    %get3A_231 = tpu.vector_load %arg7[%get3A_230] {strides = array<i32>} : memref<512xf32, #tpu.memory_space<vmem>>, vector<16xf32>,
    %get3A_232 = vector.shape_cast %get3A_231 : vector<16xf32> to vector<16xf32>
    %get3A_233 = arith.constant 256 : index
    %get3A_234 = tpu.vector_load %arg8[%get3A_233] {strides = array<i32>} : memref<512xf32, #tpu.memory_space<vmem>>, vector<16xf32>,
    %get3A_235 = vector.shape_cast %get3A_234 : vector<16xf32> to vector<16xf32>
    %add3A_236 = arith.addf %get3A_232, %get3A_235 : vector<16xf32>
    %max3A_237 = arith.constant 1.000000e-03 : f32
    %max3A_238 = vector.broadcast %max3A_237 : f32 to vector<16xf32>
    %max3A_239 = arith.maximumf %add3A_236, %max3A_238 : vector<16xf32>
    %swap3A_240 = arith.constant 256 : index
    %swap3A_241 = tpu.vector_load %arg7[%swap3A_240] {strides = array<i32>} : memref<512xf32, #tpu.memory_space<vmem>>, vector<16xf32>,
    %swap3A_242 = vector.shape_cast %swap3A_241 : vector<16xf32> to vector<16xf32>
    %swap3A_243 = vector.shape_cast %max3A_239 : vector<16xf32> to vector<16xf32>
    tpu.vector_store %arg7[%swap3A_240], %swap3A_243 {strides = array<i32>} : memref<512xf32, #tpu.memory_space<vmem>>, vector<16xf32>,
    %get3A_244 = arith.constant 272 : index
    %get3A_245 = tpu.vector_load %arg7[%get3A_244] {strides = array<i32>} : memref<512xf32, #tpu.memory_space<vmem>>, vector<16xf32>,
    %get3A_246 = vector.shape_cast %get3A_245 : vector<16xf32> to vector<16xf32>
    %get3A_247 = arith.constant 272 : index
    %get3A_248 = tpu.vector_load %arg8[%get3A_247] {strides = array<i32>} : memref<512xf32, #tpu.memory_space<vmem>>, vector<16xf32>,
    %get3A_249 = vector.shape_cast %get3A_248 : vector<16xf32> to vector<16xf32>
    %add3A_250 = arith.addf %get3A_246, %get3A_249 : vector<16xf32>
    %max3A_251 = arith.constant 1.000000e-03 : f32
    %max3A_252 = vector.broadcast %max3A_251 : f32 to vector<16xf32>
    %max3A_253 = arith.maximumf %add3A_250, %max3A_252 : vector<16xf32>
    %swap3A_254 = arith.constant 272 : index
    %swap3A_255 = tpu.vector_load %arg7[%swap3A_254] {strides = array<i32>} : memref<512xf32, #tpu.memory_space<vmem>>, vector<16xf32>,
    %swap3A_256 = vector.shape_cast %swap3A_255 : vector<16xf32> to vector<16xf32>
    %swap3A_257 = vector.shape_cast %max3A_253 : vector<16xf32> to vector<16xf32>
    tpu.vector_store %arg7[%swap3A_254], %swap3A_257 {strides = array<i32>} : memref<512xf32, #tpu.memory_space<vmem>>, vector<16xf32>,
    %get3A_258 = arith.constant 288 : index
    %get3A_259 = tpu.vector_load %arg7[%get3A_258] {strides = array<i32>} : memref<512xf32, #tpu.memory_space<vmem>>, vector<16xf32>,
    %get3A_260 = vector.shape_cast %get3A_259 : vector<16xf32> to vector<16xf32>
    %get3A_261 = arith.constant 288 : index
    %get3A_262 = tpu.vector_load %arg8[%get3A_261] {strides = array<i32>} : memref<512xf32, #tpu.memory_space<vmem>>, vector<16xf32>,
    %get3A_263 = vector.shape_cast %get3A_262 : vector<16xf32> to vector<16xf32>
    %add3A_264 = arith.addf %get3A_260, %get3A_263 : vector<16xf32>
    %max3A_265 = arith.constant 1.000000e-03 : f32
    %max3A_266 = vector.broadcast %max3A_265 : f32 to vector<16xf32>
    %max3A_267 = arith.maximumf %add3A_264, %max3A_266 : vector<16xf32>
    %swap3A_268 = arith.constant 288 : index
    %swap3A_269 = tpu.vector_load %arg7[%swap3A_268] {strides = array<i32>} : memref<512xf32, #tpu.memory_space<vmem>>, vector<16xf32>,
    %swap3A_270 = vector.shape_cast %swap3A_269 : vector<16xf32> to vector<16xf32>
    %swap3A_271 = vector.shape_cast %max3A_267 : vector<16xf32> to vector<16xf32>
    tpu.vector_store %arg7[%swap3A_268], %swap3A_271 {strides = array<i32>} : memref<512xf32, #tpu.memory_space<vmem>>, vector<16xf32>,
    %get3A_272 = arith.constant 304 : index
    %get3A_273 = tpu.vector_load %arg7[%get3A_272] {strides = array<i32>} : memref<512xf32, #tpu.memory_space<vmem>>, vector<16xf32>,
    %get3A_274 = vector.shape_cast %get3A_273 : vector<16xf32> to vector<16xf32>
    %get3A_275 = arith.constant 304 : index
    %get3A_276 = tpu.vector_load %arg8[%get3A_275] {strides = array<i32>} : memref<512xf32, #tpu.memory_space<vmem>>, vector<16xf32>,
    %get3A_277 = vector.shape_cast %get3A_276 : vector<16xf32> to vector<16xf32>
    %add3A_278 = arith.addf %get3A_274, %get3A_277 : vector<16xf32>
    %max3A_279 = arith.constant 1.000000e-03 : f32
    %max3A_280 = vector.broadcast %max3A_279 : f32 to vector<16xf32>
    %max3A_281 = arith.maximumf %add3A_278, %max3A_280 : vector<16xf32>
    %swap3A_282 = arith.constant 304 : index
    %swap3A_283 = tpu.vector_load %arg7[%swap3A_282] {strides = array<i32>} : memref<512xf32, #tpu.memory_space<vmem>>, vector<16xf32>,
    %swap3A_284 = vector.shape_cast %swap3A_283 : vector<16xf32> to vector<16xf32>
    %swap3A_285 = vector.shape_cast %max3A_281 : vector<16xf32> to vector<16xf32>
    tpu.vector_store %arg7[%swap3A_282], %swap3A_285 {strides = array<i32>} : memref<512xf32, #tpu.memory_space<vmem>>, vector<16xf32>,
    %get3A_286 = arith.constant 320 : index
    %get3A_287 = tpu.vector_load %arg7[%get3A_286] {strides = array<i32>} : memref<512xf32, #tpu.memory_space<vmem>>, vector<16xf32>,
    %get3A_288 = vector.shape_cast %get3A_287 : vector<16xf32> to vector<16xf32>
    %get3A_289 = arith.constant 320 : index
    %get3A_290 = tpu.vector_load %arg8[%get3A_289] {strides = array<i32>} : memref<512xf32, #tpu.memory_space<vmem>>, vector<16xf32>,
    %get3A_291 = vector.shape_cast %get3A_290 : vector<16xf32> to vector<16xf32>
    %add3A_292 = arith.addf %get3A_288, %get3A_291 : vector<16xf32>
    %max3A_293 = arith.constant 1.000000e-03 : f32
    %max3A_294 = vector.broadcast %max3A_293 : f32 to vector<16xf32>
    %max3A_295 = arith.maximumf %add3A_292, %max3A_294 : vector<16xf32>
    %swap3A_296 = arith.constant 320 : index
    %swap3A_297 = tpu.vector_load %arg7[%swap3A_296] {strides = array<i32>} : memref<512xf32, #tpu.memory_space<vmem>>, vector<16xf32>,
    %swap3A_298 = vector.shape_cast %swap3A_297 : vector<16xf32> to vector<16xf32>
    %swap3A_299 = vector.shape_cast %max3A_295 : vector<16xf32> to vector<16xf32>
    tpu.vector_store %arg7[%swap3A_296], %swap3A_299 {strides = array<i32>} : memref<512xf32, #tpu.memory_space<vmem>>, vector<16xf32>,
    %get3A_300 = arith.constant 336 : index
    %get3A_301 = tpu.vector_load %arg7[%get3A_300] {strides = array<i32>} : memref<512xf32, #tpu.memory_space<vmem>>, vector<16xf32>,
    %get3A_302 = vector.shape_cast %get3A_301 : vector<16xf32> to vector<16xf32>
    %get3A_303 = arith.constant 336 : index
    %get3A_304 = tpu.vector_load %arg8[%get3A_303] {strides = array<i32>} : memref<512xf32, #tpu.memory_space<vmem>>, vector<16xf32>,
    %get3A_305 = vector.shape_cast %get3A_304 : vector<16xf32> to vector<16xf32>
    %add3A_306 = arith.addf %get3A_302, %get3A_305 : vector<16xf32>
    %max3A_307 = arith.constant 1.000000e-03 : f32
    %max3A_308 = vector.broadcast %max3A_307 : f32 to vector<16xf32>
    %max3A_309 = arith.maximumf %add3A_306, %max3A_308 : vector<16xf32>
    %swap3A_310 = arith.constant 336 : index
    %swap3A_311 = tpu.vector_load %arg7[%swap3A_310] {strides = array<i32>} : memref<512xf32, #tpu.memory_space<vmem>>, vector<16xf32>,
    %swap3A_312 = vector.shape_cast %swap3A_311 : vector<16xf32> to vector<16xf32>
    %swap3A_313 = vector.shape_cast %max3A_309 : vector<16xf32> to vector<16xf32>
    tpu.vector_store %arg7[%swap3A_310], %swap3A_313 {strides = array<i32>} : memref<512xf32, #tpu.memory_space<vmem>>, vector<16xf32>,
    %get3A_314 = arith.constant 352 : index
    %get3A_315 = tpu.vector_load %arg7[%get3A_314] {strides = array<i32>} : memref<512xf32, #tpu.memory_space<vmem>>, vector<16xf32>,
    %get3A_316 = vector.shape_cast %get3A_315 : vector<16xf32> to vector<16xf32>
    %get3A_317 = arith.constant 352 : index
    %get3A_318 = tpu.vector_load %arg8[%get3A_317] {strides = array<i32>} : memref<512xf32, #tpu.memory_space<vmem>>, vector<16xf32>,
    %get3A_319 = vector.shape_cast %get3A_318 : vector<16xf32> to vector<16xf32>
    %add3A_320 = arith.addf %get3A_316, %get3A_319 : vector<16xf32>
    %max3A_321 = arith.constant 1.000000e-03 : f32
    %max3A_322 = vector.broadcast %max3A_321 : f32 to vector<16xf32>
    %max3A_323 = arith.maximumf %add3A_320, %max3A_322 : vector<16xf32>
    %swap3A_324 = arith.constant 352 : index
    %swap3A_325 = tpu.vector_load %arg7[%swap3A_324] {strides = array<i32>} : memref<512xf32, #tpu.memory_space<vmem>>, vector<16xf32>,
    %swap3A_326 = vector.shape_cast %swap3A_325 : vector<16xf32> to vector<16xf32>
    %swap3A_327 = vector.shape_cast %max3A_323 : vector<16xf32> to vector<16xf32>
    tpu.vector_store %arg7[%swap3A_324], %swap3A_327 {strides = array<i32>} : memref<512xf32, #tpu.memory_space<vmem>>, vector<16xf32>,
    %get3A_328 = arith.constant 368 : index
    %get3A_329 = tpu.vector_load %arg7[%get3A_328] {strides = array<i32>} : memref<512xf32, #tpu.memory_space<vmem>>, vector<16xf32>,
    %get3A_330 = vector.shape_cast %get3A_329 : vector<16xf32> to vector<16xf32>
    %get3A_331 = arith.constant 368 : index
    %get3A_332 = tpu.vector_load %arg8[%get3A_331] {strides = array<i32>} : memref<512xf32, #tpu.memory_space<vmem>>, vector<16xf32>,
    %get3A_333 = vector.shape_cast %get3A_332 : vector<16xf32> to vector<16xf32>
    %add3A_334 = arith.addf %get3A_330, %get3A_333 : vector<16xf32>
    %max3A_335 = arith.constant 1.000000e-03 : f32
    %max3A_336 = vector.broadcast %max3A_335 : f32 to vector<16xf32>
    %max3A_337 = arith.maximumf %add3A_334, %max3A_336 : vector<16xf32>
    %swap3A_338 = arith.constant 368 : index
    %swap3A_339 = tpu.vector_load %arg7[%swap3A_338] {strides = array<i32>} : memref<512xf32, #tpu.memory_space<vmem>>, vector<16xf32>,
    %swap3A_340 = vector.shape_cast %swap3A_339 : vector<16xf32> to vector<16xf32>
    %swap3A_341 = vector.shape_cast %max3A_337 : vector<16xf32> to vector<16xf32>
    tpu.vector_store %arg7[%swap3A_338], %swap3A_341 {strides = array<i32>} : memref<512xf32, #tpu.memory_space<vmem>>, vector<16xf32>,
    %get3A_342 = arith.constant 384 : index
    %get3A_343 = tpu.vector_load %arg7[%get3A_342] {strides = array<i32>} : memref<512xf32, #tpu.memory_space<vmem>>, vector<16xf32>,
    %get3A_344 = vector.shape_cast %get3A_343 : vector<16xf32> to vector<16xf32>
    %get3A_345 = arith.constant 384 : index
    %get3A_346 = tpu.vector_load %arg8[%get3A_345] {strides = array<i32>} : memref<512xf32, #tpu.memory_space<vmem>>, vector<16xf32>,
    %get3A_347 = vector.shape_cast %get3A_346 : vector<16xf32> to vector<16xf32>
    %add3A_348 = arith.addf %get3A_344, %get3A_347 : vector<16xf32>
    %max3A_349 = arith.constant 1.000000e-03 : f32
    %max3A_350 = vector.broadcast %max3A_349 : f32 to vector<16xf32>
    %max3A_351 = arith.maximumf %add3A_348, %max3A_350 : vector<16xf32>
    %swap3A_352 = arith.constant 384 : index
    %swap3A_353 = tpu.vector_load %arg7[%swap3A_352] {strides = array<i32>} : memref<512xf32, #tpu.memory_space<vmem>>, vector<16xf32>,
    %swap3A_354 = vector.shape_cast %swap3A_353 : vector<16xf32> to vector<16xf32>
    %swap3A_355 = vector.shape_cast %max3A_351 : vector<16xf32> to vector<16xf32>
    tpu.vector_store %arg7[%swap3A_352], %swap3A_355 {strides = array<i32>} : memref<512xf32, #tpu.memory_space<vmem>>, vector<16xf32>,
    %get3A_356 = arith.constant 400 : index
    %get3A_357 = tpu.vector_load %arg7[%get3A_356] {strides = array<i32>} : memref<512xf32, #tpu.memory_space<vmem>>, vector<16xf32>,
    %get3A_358 = vector.shape_cast %get3A_357 : vector<16xf32> to vector<16xf32>
    %get3A_359 = arith.constant 400 : index
    %get3A_360 = tpu.vector_load %arg8[%get3A_359] {strides = array<i32>} : memref<512xf32, #tpu.memory_space<vmem>>, vector<16xf32>,
    %get3A_361 = vector.shape_cast %get3A_360 : vector<16xf32> to vector<16xf32>
    %add3A_362 = arith.addf %get3A_358, %get3A_361 : vector<16xf32>
    %max3A_363 = arith.constant 1.000000e-03 : f32
    %max3A_364 = vector.broadcast %max3A_363 : f32 to vector<16xf32>
    %max3A_365 = arith.maximumf %add3A_362, %max3A_364 : vector<16xf32>
    %swap3A_366 = arith.constant 400 : index
    %swap3A_367 = tpu.vector_load %arg7[%swap3A_366] {strides = array<i32>} : memref<512xf32, #tpu.memory_space<vmem>>, vector<16xf32>,
    %swap3A_368 = vector.shape_cast %swap3A_367 : vector<16xf32> to vector<16xf32>
    %swap3A_369 = vector.shape_cast %max3A_365 : vector<16xf32> to vector<16xf32>
    tpu.vector_store %arg7[%swap3A_366], %swap3A_369 {strides = array<i32>} : memref<512xf32, #tpu.memory_space<vmem>>, vector<16xf32>,
    %get3A_370 = arith.constant 416 : index
    %get3A_371 = tpu.vector_load %arg7[%get3A_370] {strides = array<i32>} : memref<512xf32, #tpu.memory_space<vmem>>, vector<16xf32>,
    %get3A_372 = vector.shape_cast %get3A_371 : vector<16xf32> to vector<16xf32>
    %get3A_373 = arith.constant 416 : index
    %get3A_374 = tpu.vector_load %arg8[%get3A_373] {strides = array<i32>} : memref<512xf32, #tpu.memory_space<vmem>>, vector<16xf32>,
    %get3A_375 = vector.shape_cast %get3A_374 : vector<16xf32> to vector<16xf32>
    %add3A_376 = arith.addf %get3A_372, %get3A_375 : vector<16xf32>
    %max3A_377 = arith.constant 1.000000e-03 : f32
    %max3A_378 = vector.broadcast %max3A_377 : f32 to vector<16xf32>
    %max3A_379 = arith.maximumf %add3A_376, %max3A_378 : vector<16xf32>
    %swap3A_380 = arith.constant 416 : index
    %swap3A_381 = tpu.vector_load %arg7[%swap3A_380] {strides = array<i32>} : memref<512xf32, #tpu.memory_space<vmem>>, vector<16xf32>,
    %swap3A_382 = vector.shape_cast %swap3A_381 : vector<16xf32> to vector<16xf32>
    %swap3A_383 = vector.shape_cast %max3A_379 : vector<16xf32> to vector<16xf32>
    tpu.vector_store %arg7[%swap3A_380], %swap3A_383 {strides = array<i32>} : memref<512xf32, #tpu.memory_space<vmem>>, vector<16xf32>,
    %get3A_384 = arith.constant 432 : index
    %get3A_385 = tpu.vector_load %arg7[%get3A_384] {strides = array<i32>} : memref<512xf32, #tpu.memory_space<vmem>>, vector<16xf32>,
    %get3A_386 = vector.shape_cast %get3A_385 : vector<16xf32> to vector<16xf32>
    %get3A_387 = arith.constant 432 : index
    %get3A_388 = tpu.vector_load %arg8[%get3A_387] {strides = array<i32>} : memref<512xf32, #tpu.memory_space<vmem>>, vector<16xf32>,
    %get3A_389 = vector.shape_cast %get3A_388 : vector<16xf32> to vector<16xf32>
    %add3A_390 = arith.addf %get3A_386, %get3A_389 : vector<16xf32>
    %max3A_391 = arith.constant 1.000000e-03 : f32
    %max3A_392 = vector.broadcast %max3A_391 : f32 to vector<16xf32>
    %max3A_393 = arith.maximumf %add3A_390, %max3A_392 : vector<16xf32>
    %swap3A_394 = arith.constant 432 : index
    %swap3A_395 = tpu.vector_load %arg7[%swap3A_394] {strides = array<i32>} : memref<512xf32, #tpu.memory_space<vmem>>, vector<16xf32>,
    %swap3A_396 = vector.shape_cast %swap3A_395 : vector<16xf32> to vector<16xf32>
    %swap3A_397 = vector.shape_cast %max3A_393 : vector<16xf32> to vector<16xf32>
    tpu.vector_store %arg7[%swap3A_394], %swap3A_397 {strides = array<i32>} : memref<512xf32, #tpu.memory_space<vmem>>, vector<16xf32>,
    %get3A_398 = arith.constant 448 : index
    %get3A_399 = tpu.vector_load %arg7[%get3A_398] {strides = array<i32>} : memref<512xf32, #tpu.memory_space<vmem>>, vector<16xf32>,
    %get3A_400 = vector.shape_cast %get3A_399 : vector<16xf32> to vector<16xf32>
    %get3A_401 = arith.constant 448 : index
    %get3A_402 = tpu.vector_load %arg8[%get3A_401] {strides = array<i32>} : memref<512xf32, #tpu.memory_space<vmem>>, vector<16xf32>,
    %get3A_403 = vector.shape_cast %get3A_402 : vector<16xf32> to vector<16xf32>
    %add3A_404 = arith.addf %get3A_400, %get3A_403 : vector<16xf32>
    %max3A_405 = arith.constant 1.000000e-03 : f32
    %max3A_406 = vector.broadcast %max3A_405 : f32 to vector<16xf32>
    %max3A_407 = arith.maximumf %add3A_404, %max3A_406 : vector<16xf32>
    %swap3A_408 = arith.constant 448 : index
    %swap3A_409 = tpu.vector_load %arg7[%swap3A_408] {strides = array<i32>} : memref<512xf32, #tpu.memory_space<vmem>>, vector<16xf32>,
    %swap3A_410 = vector.shape_cast %swap3A_409 : vector<16xf32> to vector<16xf32>
    %swap3A_411 = vector.shape_cast %max3A_407 : vector<16xf32> to vector<16xf32>
    tpu.vector_store %arg7[%swap3A_408], %swap3A_411 {strides = array<i32>} : memref<512xf32, #tpu.memory_space<vmem>>, vector<16xf32>,
    %get3A_412 = arith.constant 464 : index
    %get3A_413 = tpu.vector_load %arg7[%get3A_412] {strides = array<i32>} : memref<512xf32, #tpu.memory_space<vmem>>, vector<16xf32>,
    %get3A_414 = vector.shape_cast %get3A_413 : vector<16xf32> to vector<16xf32>
    %get3A_415 = arith.constant 464 : index
    %get3A_416 = tpu.vector_load %arg8[%get3A_415] {strides = array<i32>} : memref<512xf32, #tpu.memory_space<vmem>>, vector<16xf32>,
    %get3A_417 = vector.shape_cast %get3A_416 : vector<16xf32> to vector<16xf32>
    %add3A_418 = arith.addf %get3A_414, %get3A_417 : vector<16xf32>
    %max3A_419 = arith.constant 1.000000e-03 : f32
    %max3A_420 = vector.broadcast %max3A_419 : f32 to vector<16xf32>
    %max3A_421 = arith.maximumf %add3A_418, %max3A_420 : vector<16xf32>
    %swap3A_422 = arith.constant 464 : index
    %swap3A_423 = tpu.vector_load %arg7[%swap3A_422] {strides = array<i32>} : memref<512xf32, #tpu.memory_space<vmem>>, vector<16xf32>,
    %swap3A_424 = vector.shape_cast %swap3A_423 : vector<16xf32> to vector<16xf32>
    %swap3A_425 = vector.shape_cast %max3A_421 : vector<16xf32> to vector<16xf32>
    tpu.vector_store %arg7[%swap3A_422], %swap3A_425 {strides = array<i32>} : memref<512xf32, #tpu.memory_space<vmem>>, vector<16xf32>,
    %get3A_426 = arith.constant 480 : index
    %get3A_427 = tpu.vector_load %arg7[%get3A_426] {strides = array<i32>} : memref<512xf32, #tpu.memory_space<vmem>>, vector<16xf32>,
    %get3A_428 = vector.shape_cast %get3A_427 : vector<16xf32> to vector<16xf32>
    %get3A_429 = arith.constant 480 : index
    %get3A_430 = tpu.vector_load %arg8[%get3A_429] {strides = array<i32>} : memref<512xf32, #tpu.memory_space<vmem>>, vector<16xf32>,
    %get3A_431 = vector.shape_cast %get3A_430 : vector<16xf32> to vector<16xf32>
    %add3A_432 = arith.addf %get3A_428, %get3A_431 : vector<16xf32>
    %max3A_433 = arith.constant 1.000000e-03 : f32
    %max3A_434 = vector.broadcast %max3A_433 : f32 to vector<16xf32>
    %max3A_435 = arith.maximumf %add3A_432, %max3A_434 : vector<16xf32>
    %swap3A_436 = arith.constant 480 : index
    %swap3A_437 = tpu.vector_load %arg7[%swap3A_436] {strides = array<i32>} : memref<512xf32, #tpu.memory_space<vmem>>, vector<16xf32>,
    %swap3A_438 = vector.shape_cast %swap3A_437 : vector<16xf32> to vector<16xf32>
    %swap3A_439 = vector.shape_cast %max3A_435 : vector<16xf32> to vector<16xf32>
    tpu.vector_store %arg7[%swap3A_436], %swap3A_439 {strides = array<i32>} : memref<512xf32, #tpu.memory_space<vmem>>, vector<16xf32>,
    %get3A_440 = arith.constant 496 : index
    %get3A_441 = tpu.vector_load %arg7[%get3A_440] {strides = array<i32>} : memref<512xf32, #tpu.memory_space<vmem>>, vector<16xf32>,
    %get3A_442 = vector.shape_cast %get3A_441 : vector<16xf32> to vector<16xf32>
    %get3A_443 = arith.constant 496 : index
    %get3A_444 = tpu.vector_load %arg8[%get3A_443] {strides = array<i32>} : memref<512xf32, #tpu.memory_space<vmem>>, vector<16xf32>,
    %get3A_445 = vector.shape_cast %get3A_444 : vector<16xf32> to vector<16xf32>
    %add3A_446 = arith.addf %get3A_442, %get3A_445 : vector<16xf32>
    %max3A_447 = arith.constant 1.000000e-03 : f32
    %max3A_448 = vector.broadcast %max3A_447 : f32 to vector<16xf32>
    %max3A_449 = arith.maximumf %add3A_446, %max3A_448 : vector<16xf32>
    %swap3A_450 = arith.constant 496 : index
    %swap3A_451 = tpu.vector_load %arg7[%swap3A_450] {strides = array<i32>} : memref<512xf32, #tpu.memory_space<vmem>>, vector<16xf32>,
    %swap3A_452 = vector.shape_cast %swap3A_451 : vector<16xf32> to vector<16xf32>
    %swap3A_453 = vector.shape_cast %max3A_449 : vector<16xf32> to vector<16xf32>
    tpu.vector_store %arg7[%swap3A_450], %swap3A_453 {strides = array<i32>} : memref<512xf32, #tpu.memory_space<vmem>>, vector<16xf32>,
    "tpu.region"() ({
      %run_scoped3A = tpu.sem_alloc : memref<!tpu.dma_semaphore, #tpu.memory_space<semaphore_mem>>
      %dma_start3A_454 = tpu.memref_slice %arg5[%mul3A_2] : memref<16384xf32, #tpu.memory_space<hbm>> -> memref<512xf32, #tpu.memory_space<hbm>>
      %dma_start3A_455 = tpu.memref_slice %arg5[%mul3A_2] : memref<16384xf32, #tpu.memory_space<hbm>> -> memref<512xf32, #tpu.memory_space<hbm>>
      tpu.enqueue_dma source(%arg7 : memref<512xf32, #tpu.memory_space<vmem>>) target(%dma_start3A_455 : memref<512xf32, #tpu.memory_space<hbm>>) target_semaphore(%run_scoped3A : memref<!tpu.dma_semaphore, #tpu.memory_space<semaphore_mem>>)
      %dma_wait3A_456 = tpu.memref_slice %arg5[%mul3A_2] : memref<16384xf32, #tpu.memory_space<hbm>> -> memref<512xf32, #tpu.memory_space<hbm>>
      %dma_wait3A_457 = tpu.memref_slice %arg5[%mul3A_2] : memref<16384xf32, #tpu.memory_space<hbm>> -> memref<512xf32, #tpu.memory_space<hbm>>
      tpu.wait_dma2 semaphore(%run_scoped3A : memref<!tpu.dma_semaphore, #tpu.memory_space<semaphore_mem>>) src(%arg7 : memref<512xf32, #tpu.memory_space<vmem>>) dst(%dma_wait3A_457 : memref<512xf32, #tpu.memory_space<hbm>>)
      tpu.yield
    }) : () -> ()
    return
  }
}

module attributes {stable_mosaic.version = 14 : i64} {
  func.func @_mod_body(%arg0: i32, %arg1: memref<16384xf32, #tpu.memory_space<vmem>>, %arg2: memref<56x16384xf32, #tpu.memory_space<vmem>>, %arg3: memref<56x16384xf32, #tpu.memory_space<vmem>>) attributes {dimension_semantics = [#tpu.dimension_semantics<arbitrary>], iteration_bounds = array<i64: 4>, scalar_prefetch = 0 : i64, scratch_operands = 0 : i64, tpu.core_type = #tpu.core_type<tc>, window_params = [{pipeline_mode = #tpu.pipeline_mode<synchronous>, transform_indices = @transform_0, window_bounds = array<i64: 16384>}, {transform_indices = @transform_1, window_bounds = array<i64: 56, 16384>}, {transform_indices = @transform_2, window_bounds = array<i64: 56, 16384>}]} {
    %get3A = arith.constant 0 : index
    %get3A_0 = arith.constant 0 : index
    %get3A_1 = vector.load %arg2[%get3A, %get3A_0] : memref<56x16384xf32, #tpu.memory_space<vmem>>, vector<56x16384xf32>
    %get3A_2 = arith.constant 0 : index
    %get3A_3 = vector.load %arg1[%get3A_2] : memref<16384xf32, #tpu.memory_space<vmem>>, vector<16384xf32>
    %broadcast_in_dim3A = vector.shape_cast %get3A_3 : vector<16384xf32> to vector<1x16384xf32>
    %rem3A = vector.broadcast %broadcast_in_dim3A : vector<1x16384xf32> to vector<56x16384xf32>
    %rem3A_4 = arith.remf %get3A_1, %rem3A : vector<56x16384xf32>
    %ne3A = arith.constant 0.000000e+00 : f32
    %ne3A_5 = vector.broadcast %ne3A : f32 to vector<56x16384xf32>
    %ne3A_6 = arith.cmpf one, %rem3A_4, %ne3A_5 : vector<56x16384xf32>
    %lt3A = arith.constant 0.000000e+00 : f32
    %lt3A_7 = vector.broadcast %lt3A : f32 to vector<56x16384xf32>
    %lt3A_8 = arith.cmpf olt, %rem3A_4, %lt3A_7 : vector<56x16384xf32>
    %lt3A_9 = arith.constant 0.000000e+00 : f32
    %lt3A_10 = vector.broadcast %lt3A_9 : f32 to vector<1x16384xf32>
    %lt3A_11 = arith.cmpf olt, %broadcast_in_dim3A, %lt3A_10 : vector<1x16384xf32>
    %ne3A_12 = vector.broadcast %lt3A_11 : vector<1x16384xi1> to vector<56x16384xi1>
    %ne3A_13 = vector.broadcast %ne3A_12 : vector<56x16384xi1> to vector<56x16384xi1>
    %ne3A_14 = arith.xori %lt3A_8, %ne3A_13 : vector<56x16384xi1>
    %and3A = arith.andi %ne3A_14, %ne3A_6 : vector<56x16384xi1>
    %add3A = vector.broadcast %broadcast_in_dim3A : vector<1x16384xf32> to vector<56x16384xf32>
    %add3A_15 = arith.addf %rem3A_4, %add3A : vector<56x16384xf32>
    %select_n3A = arith.select %and3A, %add3A_15, %rem3A_4 : vector<56x16384xi1>, vector<56x16384xf32>
    %swap3A = arith.constant 0 : index
    %swap3A_16 = arith.constant 0 : index
    %swap3A_17 = vector.load %arg3[%swap3A, %swap3A_16] : memref<56x16384xf32, #tpu.memory_space<vmem>>, vector<56x16384xf32>
    tpu.vector_store %arg3[%swap3A, %swap3A_16], %select_n3A {strides = array<i32>} : memref<56x16384xf32, #tpu.memory_space<vmem>>, vector<56x16384xf32>,
    return
  }
  func.func @transform_0(%arg0: i32) -> i32 {
    %c0_i32 = arith.constant 0 : i32
    %c0_i32_0 = arith.constant 0 : i32
    return %c0_i32 : i32
  }
  func.func @transform_1(%arg0: i32) -> (i32, i32) {
    %c0_i32 = arith.constant 0 : i32
    %c0_i32_0 = arith.constant 0 : i32
    return %arg0, %c0_i32 : i32, i32
  }
  func.func @transform_2(%arg0: i32) -> (i32, i32) {
    %c0_i32 = arith.constant 0 : i32
    %c0_i32_0 = arith.constant 0 : i32
    return %arg0, %c0_i32 : i32, i32
  }
}

</mosaic_0001>

<sc_bundles>
// kernel: kernel.4.cloned.1.call-start
scs
__scs_entry_jumppad:
0x0: {  	(pc) =	sbr.rel $0x88, $3  }
0x1: {  	(tag) =	ssettag $0x0;
	lr =	simm.s32 $0x1  }
0x2: {  	[smem:$0x3F9D] =	sst lr;
	_ =	strace $0xD0000000  }
0x3: {  	_ = 	snop  }
0x4: {  	_ = 	snop  }
0x5: {  	_ = 	snop  }
0x6: {  	_ = 	snop  }
0x7: {  	_ = 	snop  }
__scs_overlays_trampoline_lowered:
0x8: {  	[smem:$0x3FAC] =	sst s0  }
0x9: {  	[smem:$0x3FAD] =	sst s1  }
0xa: {  	[smem:$0x3FAE] =	sst s2  }
0xb: {  	[smem:$0x3FAF] =	sst s3  }
0xc: {  	[smem:$0x3FB0] =	sst s4  }
0xd: {  	[smem:$0x3FB1] =	sst s5  }
0xe: {  	[smem:$0x3FB2] =	sst s6  }
0xf: {  	[smem:$0x3FB3] =	sst s7  }
0x10: {  	[smem:$0x3FB4] =	sst s8  }
0x11: {  	[smem:$0x3FB5] =	sst s9;
	s0 =	simm.s32 @!p0 $0x0  }
0x12: {  	s1 =	sld [smem:$0x3F9B];
	s0 =	simm.s32 @p0 $0x1  }
0x13: {  	[smem:$0x3FB6] =	sst s0;
	s0 =	simm.s32 @!p1 $0x0  }
0x14: {  	s2 =	sld [smem:$0x3F9A];
	s0 =	simm.s32 @p1 $0x1  }
0x15: {  	[smem:$0x3FB7] =	sst s0;
	s0 =	simm.s32 @!p2 $0x0  }
0x16: {  	s3 =	sld [smem:$0x3FDB];
	s0 =	simm.s32 @p2 $0x1  }
0x17: {  	s4 =	simm.s32 $0x1BF5;
	[smem:$0x3FB9] =	sst s0  }
0x18: {  	s0 =	sld [smem:$0x3F9C];
	_ =	swait.ge [sflag:s4], $0x0  }
0x19: {  	s7 =	sld [smem:$0x3F9D]  }
0x1a: {  	s8 =	sadd.s32 $0xFFFFE003, lr  }
0x1b: {  	s9 =	sadd.s32 $0xFFFFFEF7, lr;
	s5 =	simm.s32 $0xFFFFFFFF;
	p2 =	slt.u32 s8, $0xFFFFF086  }
0x1c: {  	p1 =	slt.u32 s9, $0xF7A;
	s5 =	simm.s32 @!p2 $0x0  }
0x1d: {  	s5 =	simm.s32 @p1 $0x1;
	p0 =	seq.s32 s7, s2  }
0x1e: {  	s7 =	smul.u32 @!p0 $0xF7A, s2;
	p2 =	seq.s32 @!p0 s5, $0x0  }
0x1f: {  	s9 =	smul.u32 $0xF7A, s1;
	s8 =	simm.s32 @!p0 $0x1BF5;
	p2 =	por !p2, p0  }
0x20: {  	[sflag:s8] =	ssyncset.s32 @!p0 $0xFFFFF086;
	s6 =	sadd.s32 @!p0 s3, s7;
	s7 =	simm.s32 @!p0 $0x108  }
0x21: {  	s3 =	sadd.s32 s3, s9;
	s6 =	sadd.s32 @!p0 $0x88, s6;
	s7 =	simm.s32 @p2 $0x1082  }
0x22: {  	[simem:s7], [sflag:s8] =	dma.local @!p0 [hbm:s6], $0xF7A  }
0x23: {  	s9 =	sor.u32 $0xD0000000, s2;
	s6 =	simm.s32 $0x108;
	_ =	swait.ge @!p0 [sflag:s8], $0x0  }
0x24: {  	s3 =	sadd.s32 $0x88, s3;
	s6 =	simm.s32 @!p1 $0x1082;
	[sflag:s4] =	ssyncset.s32 $0xFFFFF086  }
0x25: {  	[simem:s6], [sflag:s4] =	dma.local [hbm:s3], $0xF7A  }
0x26: {  	[smem:$0x3F9D] =	sst s1;
	(tag) =	ssettag s2;
	_ =	strace s9  }
0x27: {  	s1 =	sld [smem:$0x3FAD]  }
0x28: {  	s2 =	sld [smem:$0x3FAE]  }
0x29: {  	s4 =	sld [smem:$0x3FB0]  }
0x2a: {  	p0 =	seq.s32 s5, $0x0;
	s5 =	sld [smem:$0x3FB1]  }
0x2b: {  	s6 =	sld [smem:$0x3FB2]  }
0x2c: {  	s7 =	sld [smem:$0x3FB3]  }
0x2d: {  	s3 =	simm.s32 $0x108;
	s8 =	sld [smem:$0x3FB4]  }
0x2e: {  	s3 =	simm.s32 @!p0 $0x1082;
	s9 =	sld [smem:$0x3FB5]  }
0x2f: {  	lr =	sadd.s32 s0, s3;
	s0 =	sld [smem:$0x3FAC]  }
0x30: {  	s3 =	sld [smem:$0x3FAF]  }
0x31: {  	[smem:$0x3FB8] =	sst s10  }
0x32: {  	s10 =	sld [smem:$0x3FB6];
	_ =	sdelay $0x3  }
0x33: {  	p0 =	seq.s32 s10, $0x1;
	s10 =	sld [smem:$0x3FB8];
	_ =	sdelay $0x3  }
0x34: {  	[smem:$0x3FB8] =	sst s10  }
0x35: {  	s10 =	sld [smem:$0x3FB7];
	_ =	sdelay $0x3  }
0x36: {  	p1 =	seq.s32 s10, $0x1;
	s10 =	sld [smem:$0x3FB8];
	_ =	sdelay $0x3  }
0x37: {  	[smem:$0x3FB8] =	sst s10  }
0x38: {  	s10 =	sld [smem:$0x3FB9]  }
0x39: {  	_ = 	snop;
	(pc) =	sbr.ind lr, $3  }
0x3a: {  	_ = 	snop  }
0x3b: {  	_ = 	snop  }
0x3c: {  	p2 =	seq.s32 s10, $0x1;
	s10 =	sld [smem:$0x3FB8]  }
0x3d: {  	_ =	shalt  }
0x3e: {  	_ =	shalt  }
0x3f: {  	_ =	shalt  }
0x40: {  	_ =	shalt  }
0x41: {  	_ =	shalt  }
0x42: {  	_ =	shalt  }
0x43: {  	_ =	shalt  }
0x44: {  	_ =	shalt  }
0x45: {  	_ =	shalt  }
0x46: {  	_ =	shalt  }
0x47: {  	_ =	shalt  }
0x48: {  	_ =	shalt  }
0x49: {  	_ =	shalt  }
0x4a: {  	_ =	shalt  }
0x4b: {  	_ =	shalt  }
0x4c: {  	_ =	shalt  }
0x4d: {  	_ =	shalt  }
0x4e: {  	_ =	shalt  }
0x4f: {  	_ =	shalt  }
0x50: {  	_ =	shalt  }
0x51: {  	_ =	shalt  }
0x52: {  	_ =	shalt  }
0x53: {  	_ =	shalt  }
0x54: {  	_ =	shalt  }
0x55: {  	_ =	shalt  }
0x56: {  	_ =	shalt  }
0x57: {  	_ =	shalt  }
0x58: {  	_ =	shalt  }
0x59: {  	_ =	shalt  }
0x5a: {  	_ =	shalt  }
0x5b: {  	_ =	shalt  }
0x5c: {  	_ =	shalt  }
0x5d: {  	_ =	shalt  }
0x5e: {  	_ =	shalt  }
0x5f: {  	_ =	shalt  }
0x60: {  	_ =	shalt  }
0x61: {  	_ =	shalt  }
0x62: {  	_ =	shalt  }
0x63: {  	_ =	shalt  }
0x64: {  	_ =	shalt  }
0x65: {  	_ =	shalt  }
0x66: {  	_ =	shalt  }
0x67: {  	_ =	shalt  }
0x68: {  	_ =	shalt  }
0x69: {  	_ =	shalt  }
0x6a: {  	_ =	shalt  }
0x6b: {  	_ =	shalt  }
0x6c: {  	_ =	shalt  }
0x6d: {  	_ =	shalt  }
0x6e: {  	_ =	shalt  }
0x6f: {  	_ =	shalt  }
0x70: {  	_ =	shalt  }
0x71: {  	_ =	shalt  }
0x72: {  	_ =	shalt  }
0x73: {  	_ =	shalt  }
0x74: {  	_ =	shalt  }
0x75: {  	_ =	shalt  }
0x76: {  	_ =	shalt  }
0x77: {  	_ =	shalt  }
0x78: {  	_ =	shalt  }
0x79: {  	_ =	shalt  }
0x7a: {  	_ =	shalt  }
0x7b: {  	_ =	shalt  }
0x7c: {  	_ =	shalt  }
0x7d: {  	_ =	shalt  }
0x7e: {  	_ =	shalt  }
0x7f: {  	_ =	shalt  }
0x80: {  	_ =	shalt  }
0x81: {  	_ =	shalt  }
0x82: {  	_ =	shalt  }
0x83: {  	_ =	shalt  }
0x84: {  	_ =	shalt  }
0x85: {  	_ =	shalt  }
0x86: {  	_ =	shalt  }
0x87: {  	_ =	shalt  }
.Lfunc_end0:
.L_simem_size_0:
called_computation_lowered:
.L_overlay_start_0:
0x88: {  	s2 =	sld [smem:$0x3FD9]  }
0x89: {  	s3 =	sld [smem:$0x3FFE];
	_ =	sdelay $0x1  }
0x8a: {  	s1 =	srdreg.scid  }
0x8b: {  	s0 =	sand.u32 $0x1, s1  }
0x8c: {  	s18 =	sshll.u32 s0, $0xA;
	s2 =	sadd.s32 s3, s2  }
0x8d: {  	s2 =	sadd.s32 s2, s18  }
0x8e: {  	[smem:$0x3FC4] =	sst s2  }
0x8f: {  	_ = 	snop  }
0x90: {  	s2 =	sld [smem:$0x3FC8]  }
0x91: {  	s19 =	sld [smem:$0x3FC7]  }
0x92: {  	s4 =	sld [smem:$0x3FC6]  }
0x93: {  	s5 =	sld [smem:$0x3FD0];
	(tm) =	ssettm $0x1  }
0x94: {  	s6 =	sld [smem:$0x3FFB];
	_ =	sdelay $0x3  }
0x95: {  	_ =	strace s6  }
0x96: {  	s6 =	sld [smem:$0x3FFC];
	_ =	sdelay $0x3  }
0x97: {  	_ =	strace s6  }
0x98: {  	s6 =	sld [smem:$0x3FFD];
	_ =	sdelay $0x3  }
0x99: {  	_ =	strace s6  }
0x9a: {  	_ =	strace $0x8FFFFFFF  }
0x9b: {  	s20 =	sld [smem:$0x3FDB];
	_ =	sdelay $0x1  }
0x9c: {  	s7 =	simm.s32 $_scs_section_size  }
0x9d: {  	s8 =	simm.s32 $_size__tile_overlayer_lowered;
	s9 =	simm.s32 $_tile_overlayer_lowered  }
0x9e: {  	s23 =	simm.s32 $0x1BFF;
	s22 =	sshll.u32 s9, $0x1;
	s6 =	sadd.s32 s7, s20  }
0x9f: {  	s10 =	simm.s32 $0x0;
	s21 =	sshll.u32 s8, $0x1;
	s8 =	sadd.s32 s22, s6  }
0xa0: {  	[timem:s10], [sflag:s23] =	dma.local [hbm:s8], s21  }
0xa1: {  	_ =	swait.ge [sflag:s23], s21  }
0xa2: {  	s7 =	ssub.s32 $0x0, s21;
	[sflag:s23] =	ssyncset.done $0x0  }
0xa3: {  	[sflag:s23] =	ssyncadd.s32 s7;
	_ =	sdelay $0x1  }
0xa4: {  	s24 =	simm.s32 $0x1B8B  }
0xa5: {  	_ =	swait.ge [sflag:s24], $0x1  }
0xa6: {  	[sflag:s24] =	ssyncset.done $0x0  }
0xa7: {  	s25 =	simm.s32 $0x1B8E;
	[sflag:s24] =	ssyncadd.s32 $0xFFFFFFFF  }
0xa8: {  	s26 =	simm.s32 $execute0_lowered;
	[smem:$0x3FD2] =	sst s25  }
0xa9: {  	s7 =	sshll.u32 s26, $0x1;
	_ =	strace $0x80000046;
	[dreg:$0x1] =	wrdreg $0xFFFFFFFF  }
0xaa: {  	s28 =	simm.s32 $_size_execute0_lowered;
	s6 =	sadd.s32 s6, s7;
	[dreg:$0x0] =	wrdreg $0x0  }
0xab: {  	s7 =	sshll.u32 s28, $0x1;
	[dreg:$0x2] =	wrdreg s6  }
0xac: {  	[dreg:$0x3] =	wrdreg s7  }
0xad: {  	[dreg:$0x4] =	wrdreg $0xC0  }
0xae: {  	_ =	task [dreg:s10], $0x5FFFF  }
0xaf: {  	[dreg:$0x1] =	wrdreg $0xFFFFFFFF  }
0xb0: {  	[dreg:$0x0] =	wrdreg $0x60  }
0xb1: {  	[dreg:$0x2] =	wrdreg s2  }
0xb2: {  	[dreg:$0x3] =	wrdreg s19  }
0xb3: {  	[dreg:$0x4] =	wrdreg s4  }
0xb4: {  	[dreg:$0x5] =	wrdreg s5  }
0xb5: {  	[dreg:$0x6] =	wrdreg $0x9  }
0xb6: {  	_ =	task.clear_ibuf [dreg:s10], $0x7FFFF;
	_ =	strace $0x90000046  }
0xb7: {  	s29 =	simm.s32 $0x9;
	_ =	strace $0x80000048  }
0xb8: {  	_ =	swait.ge [sflag:s29], $0x1  }
0xb9: {  	[sflag:s29] =	ssyncadd.s32 $0xFFFFFFFF  }
0xba: {  	_ =	strace $0x90000048  }
0xbb: {  	_ =	sfence  }
0xbc: {  	s30 =	sld [smem:$0x0];
	_ =	sdelay $0x2  }
0xbd: {  	s31 =	sshll.u32 s1, $0xD;
	s1 =	sshrl.u32 s1, $0x2  }
0xbe: {  	s3 =	sand.u32 $0x4000, s31;
	s1 =	sadd.s32 s1, s30  }
0xbf: {  	s0 =	sor.u32 s3, s0;
	s1 =	sshll.u32 s1, $0x11  }
0xc0: {  	s0 =	sor.u32 s1, s0  }
0xc1: {  	s0 =	sadd.s32 $0x8F2B, s0  }
0xc2: {  	[sflag:s0] =	ssyncadd.remote.s32 $0x1  }
0xc3: {  	_ =	sfence.sel $0xFFFF  }
0xc4: {  	[dreg:$0x0] =	wrdreg $0xFFFFFFFF;
	(pc) =	sbr.abs _section_cstart, $3  }
0xc5: {  	[dreg:$0x1] =	wrdreg $0xFFFFFFFF  }
0xc6: {  	_ =	task.clear_ibuf [dreg:s10], $0x2FFFF;
	_ =	strace $0x9FFFFFFF  }
0xc7: {  	(tm) =	ssettm $0x7FFFFFFF  }
tec
execute0_lowered:
.L_overlay_start_1:
0x0: {  	(tag) =	ssettag $0x1  }
0x1: {  	s5 =	rddreg [dreg:$0x0]  }
0x2: {  	s1 =	rddreg [dreg:$0x1]  }
0x3: {  	s2 =	rddreg [dreg:$0x2]  }
0x4: {  	s6 =	rddreg [dreg:$0x3]  }
0x5: {  	s0 =	rddreg [dreg:$0x4];
	s7 =	srdreg.scid  }
0x6: {  	s4 =	simm.s32 $0x0;
	s3 =	stileid.u32;
	s11 =	simm.s32 $0x1  }
0x7: {  	s7 =	sand.u32 $0x1, s7;
	s9 =	sshll.u32 s3, $0x7;
	[smem:$0x7FF] =	sst s4  }
0x8: {  	s8 =	ssub.s32 $0x2, s7;
	s7 =	sshll.u32 s7, $0x6;
	_ =	strace $0x80000047  }
0x9: {  	s10 =	sshrl.u32 s8, $0x1;
	s7 =	sor.u32 s7, s9;
	s9 =	simm.s32 $0x200  }
0xa: {  	s8 =	ssub.s32 s8, s10;
	s5 =	sadd.s32 s5, s7;
	s6 =	sadd.s32 s6, s7  }
0xb: {  	s10 =	simm.s32 $0x400;
	s7 =	smax.u32 s8, $0x1;
	s8 =	simm.s32 $0x2  }
.LBB2_1:
0xc: {  	[tilespmem:s4], [sflag:$0x2] =	stream.linear.gather [hbm4b:s5+s4], $0x200, $0x38;
	[tilespmem:$0x600] =	vst v63  }
0xd: {  	_ =	swait.ge [sflag:s8], $0x200  }
0xe: {  	[sflag:s8] =	ssyncset.done $0x0  }
0xf: {  	[sflag:s8] =	ssyncadd.s32 $0xFFFFFE00  }
0x10: {  	[tilespmem:s9], [sflag:$0x1] =	stream.indirect.gather [hbm4b:s1+s9], $0x1, s4, s9, $0xb8;
	[tilespmem:$0x600] =	vst v63  }
0x11: {  	_ = 	snop  }
0x12: {  	[tilespmem:s10], [sflag:$0x1] =	stream.indirect.gather [hbm4b:s2+s9], $0x1, s4, s9, $0xb8;
	[tilespmem:$0x600] =	vst v63  }
0x13: {  	_ =	swait.ge [sflag:s11], $0x200  }
0x14: {  	[sflag:s11] =	ssyncset.done $0x0  }
0x15: {  	[sflag:s11] =	ssyncadd.s32 $0xFFFFFE00  }
0x16: {  	_ =	swait.ge [sflag:s11], $0x200  }
0x17: {  	[sflag:s11] =	ssyncset.done $0x0  }
0x18: {  	[sflag:s11] =	ssyncadd.s32 $0xFFFFFE00  }
0x19: {  	v0 =	vld [tilespmem:$0x200]  }
0x1a: {  	v1 =	vld [tilespmem:$0x400]  }
0x1b: {  	v2 =	vld [tilespmem:$0x210]  }
0x1c: {  	v3 =	vld [tilespmem:$0x410]  }
0x1d: {  	v4 =	vld [tilespmem:$0x220]  }
0x1e: {  	v5 =	vld [tilespmem:$0x420]  }
0x1f: {  	v6 =	vld [tilespmem:$0x230]  }
0x20: {  	v7 =	vld [tilespmem:$0x430]  }
0x21: {  	v8 =	vld [tilespmem:$0x240]  }
0x22: {  	v9 =	vld [tilespmem:$0x440]  }
0x23: {  	v10 =	vld [tilespmem:$0x250]  }
0x24: {  	v11 =	vld [tilespmem:$0x450]  }
0x25: {  	v12 =	vld [tilespmem:$0x260]  }
0x26: {  	v13 =	vld [tilespmem:$0x460]  }
0x27: {  	v14 =	vld [tilespmem:$0x270]  }
0x28: {  	v15 =	vld [tilespmem:$0x470]  }
0x29: {  	v16 =	vld [tilespmem:$0x280]  }
0x2a: {  	v17 =	vld [tilespmem:$0x480]  }
0x2b: {  	v18 =	vld [tilespmem:$0x290]  }
0x2c: {  	v19 =	vld [tilespmem:$0x490]  }
0x2d: {  	v20 =	vld [tilespmem:$0x2A0]  }
0x2e: {  	v21 =	vld [tilespmem:$0x4A0]  }
0x2f: {  	v22 =	vld [tilespmem:$0x2B0]  }
0x30: {  	v23 =	vld [tilespmem:$0x4B0]  }
0x31: {  	v24 =	vld [tilespmem:$0x2C0]  }
0x32: {  	v25 =	vld [tilespmem:$0x4C0]  }
0x33: {  	v26 =	vld [tilespmem:$0x2D0]  }
0x34: {  	v27 =	vld [tilespmem:$0x4D0]  }
0x35: {  	v28 =	vld [tilespmem:$0x2E0]  }
0x36: {  	v29 =	vld [tilespmem:$0x4E0]  }
0x37: {  	v30 =	vld [tilespmem:$0x2F0]  }
0x38: {  	v31 =	vld [tilespmem:$0x4F0]  }
0x39: {  	v32 =	vld [tilespmem:$0x300]  }
0x3a: {  	v33 =	vld [tilespmem:$0x500]  }
0x3b: {  	v34 =	vld [tilespmem:$0x310]  }
0x3c: {  	v35 =	vld [tilespmem:$0x510]  }
0x3d: {  	v36 =	vld [tilespmem:$0x320]  }
0x3e: {  	v45 =	vld [tilespmem:$0x560];
	v0 =	vadd.f32 v1, v0  }
0x3f: {  	v48 =	vld [tilespmem:$0x370];
	v2 =	vadd.f32 v3, v2  }
0x40: {  	v51 =	vld [tilespmem:$0x570];
	v4 =	vadd.f32 v5, v4;
	v0 =	vmax.f32 v0, $1.000000050e-03  }
0x41: {  	v54 =	vld [tilespmem:$0x380];
	v61 =	vadd.f32 v7, v6;
	v60 =	vmax.f32 v2, $1.000000050e-03;
	[tilespmem:$0x200] =	vst v0  }
0x42: {  	v57 =	vld [tilespmem:$0x580];
	v63 =	vadd.f32 v9, v8;
	v62 =	vmax.f32 v4, $1.000000050e-03;
	[tilespmem:$0x210] =	vst v60  }
0x43: {  	v1 =	vld [tilespmem:$0x520];
	v38 =	vadd.f32 v11, v10;
	v37 =	vmax.f32 v61, $1.000000050e-03;
	[tilespmem:$0x220] =	vst v62  }
0x44: {  	v3 =	vld [tilespmem:$0x330];
	v40 =	vadd.f32 v13, v12;
	v39 =	vmax.f32 v63, $1.000000050e-03;
	[tilespmem:$0x230] =	vst v37  }
0x45: {  	v5 =	vld [tilespmem:$0x530];
	v42 =	vadd.f32 v15, v14;
	v41 =	vmax.f32 v38, $1.000000050e-03;
	[tilespmem:$0x240] =	vst v39  }
0x46: {  	v6 =	vld [tilespmem:$0x340];
	v44 =	vadd.f32 v17, v16;
	v43 =	vmax.f32 v40, $1.000000050e-03;
	[tilespmem:$0x250] =	vst v41  }
0x47: {  	v7 =	vld [tilespmem:$0x540];
	v47 =	vadd.f32 v19, v18;
	v46 =	vmax.f32 v42, $1.000000050e-03;
	[tilespmem:$0x260] =	vst v43  }
0x48: {  	v8 =	vld [tilespmem:$0x350];
	v50 =	vadd.f32 v21, v20;
	v49 =	vmax.f32 v44, $1.000000050e-03;
	[tilespmem:$0x270] =	vst v46  }
0x49: {  	v9 =	vld [tilespmem:$0x550];
	v53 =	vadd.f32 v23, v22;
	v52 =	vmax.f32 v47, $1.000000050e-03;
	[tilespmem:$0x280] =	vst v49  }
0x4a: {  	v10 =	vld [tilespmem:$0x360];
	v56 =	vadd.f32 v25, v24;
	v55 =	vmax.f32 v50, $1.000000050e-03;
	[tilespmem:$0x290] =	vst v52  }
0x4b: {  	v59 =	vadd.f32 v27, v26;
	v25 =	vld [tilespmem:$0x3A0];
	v58 =	vmax.f32 v53, $1.000000050e-03;
	[tilespmem:$0x2A0] =	vst v55  }
0x4c: {  	v24 =	vadd.f32 v31, v30;
	v27 =	vadd.f32 v33, v32;
	v31 =	vld [tilespmem:$0x3B0];
	v61 =	vmax.f32 v56, $1.000000050e-03;
	[tilespmem:$0x2B0] =	vst v58  }
0x4d: {  	v30 =	vadd.f32 v35, v34;
	v33 =	vld [tilespmem:$0x5B0];
	v23 =	vmax.f32 v59, $1.000000050e-03;
	[tilespmem:$0x2C0] =	vst v61  }
0x4e: {  	v63 =	vld [tilespmem:$0x590];
	v32 =	vmax.f32 v27, $1.000000050e-03;
	[tilespmem:$0x2D0] =	vst v23  }
0x4f: {  	v34 =	vmax.f32 v30, $1.000000050e-03;
	v42 =	vld [tilespmem:$0x3D0];
	v47 =	vadd.f32 v51, v48;
	[tilespmem:$0x300] =	vst v32  }
0x50: {  	v48 =	vld [tilespmem:$0x3E0];
	v50 =	vadd.f32 v57, v54;
	v62 =	vadd.f32 v29, v28;
	v29 =	vmax.f32 v24, $1.000000050e-03;
	[tilespmem:$0x310] =	vst v34  }
0x51: {  	v51 =	vld [tilespmem:$0x5E0];
	[tilespmem:$0x2F0] =	vst v29;
	v52 =	vmax.f32 v47, $1.000000050e-03  }
0x52: {  	v54 =	vld [tilespmem:$0x3F0];
	v55 =	vmax.f32 v50, $1.000000050e-03;
	v1 =	vadd.f32 v1, v36;
	[tilespmem:$0x370] =	vst v52  }
0x53: {  	v57 =	vld [tilespmem:$0x5F0];
	v26 =	vmax.f32 v62, $1.000000050e-03;
	v35 =	vadd.f32 v5, v3;
	[tilespmem:$0x380] =	vst v55  }
0x54: {  	v60 =	vld [tilespmem:$0x390];
	v38 =	vadd.f32 v7, v6;
	[tilespmem:$0x2E0] =	vst v26;
	v37 =	vmax.f32 v1, $1.000000050e-03  }
0x55: {  	v28 =	vld [tilespmem:$0x5A0];
	v41 =	vadd.f32 v9, v8;
	v40 =	vmax.f32 v35, $1.000000050e-03;
	[tilespmem:$0x320] =	vst v37  }
0x56: {  	v39 =	vld [tilespmem:$0x5C0];
	v44 =	vadd.f32 v45, v10;
	v43 =	vmax.f32 v38, $1.000000050e-03;
	[tilespmem:$0x330] =	vst v40  }
0x57: {  	v36 =	vld [tilespmem:$0x3C0];
	v58 =	vadd.f32 v33, v31;
	v46 =	vmax.f32 v41, $1.000000050e-03;
	[tilespmem:$0x340] =	vst v43  }
0x58: {  	v45 =	vld [tilespmem:$0x5D0];
	v49 =	vmax.f32 v44, $1.000000050e-03;
	v61 =	vadd.f32 v51, v48;
	[tilespmem:$0x350] =	vst v46  }
0x59: {  	v0 =	vmax.f32 v58, $1.000000050e-03;
	v62 =	vadd.f32 v57, v54;
	[tilespmem:$0x360] =	vst v49  }
0x5a: {  	v53 =	vadd.f32 v63, v60;
	[tilespmem:$0x3B0] =	vst v0;
	v0 =	vmax.f32 v61, $1.000000050e-03  }
0x5b: {  	v56 =	vadd.f32 v28, v25;
	v63 =	vmax.f32 v62, $1.000000050e-03;
	[tilespmem:$0x3E0] =	vst v0  }
0x5c: {  	v2 =	vmax.f32 v53, $1.000000050e-03;
	v59 =	vadd.f32 v39, v36;
	[tilespmem:$0x3F0] =	vst v63  }
0x5d: {  	v1 =	vmax.f32 v56, $1.000000050e-03;
	v60 =	vadd.f32 v45, v42;
	[tilespmem:$0x390] =	vst v2  }
0x5e: {  	[tilespmem:$0x3A0] =	vst v1;
	v2 =	vmax.f32 v59, $1.000000050e-03  }
0x5f: {  	p0 =	sne.s32 s7, $0x1;
	v1 =	vmax.f32 v60, $1.000000050e-03;
	[tilespmem:$0x3C0] =	vst v2  }
.Ltmp0:
0x60: {  	[tilespmem:$0x3D0] =	vst v1;
	(pc) =	sbr.rel @p0 .LBB2_1-.Ltmp0, $4  }
0x61: {  	[hbm4b:s6+s4] =	stream.linear.scatter [tilespmem:s9], [sflag:$0x2], $0x200, $0x38;
	[tilespmem:$0x600] =	vst v63  }
0x62: {  	_ =	swait.ge [sflag:s8], $0x200  }
0x63: {  	[sflag:s8] =	ssyncset.done $0x0  }
0x64: {  	s7 =	sadd.s32 $0xFFFFFFFF, s7;
	[sflag:s8] =	ssyncadd.s32 $0xFFFFFE00  }
0x65: {  	_ =	sfence.sel $0x180000  }
0x66: {  	[bflag:$0x0] =	sbarrier.arrive $0xFFFF  }
0x67: {  	p0 =	sne.s32 s3, $0x0;
	_ =	strace $0x90000047  }
0x68: {  	s0 =	sadd.s32 @!p0 $0x100000, s0;
	[bflag:$0x2] =	sbarrier.arrive $0xFFFF  }
0x69: {  	[sflag:s0] =	ssyncadd.tile.s32 @!p0 $0x1;
	_ =	shalt  }
.Lfunc_end2:
_tile_overlayer_lowered:
.L_overlay_start_2:
0x6a: {  	(tag) =	ssettag $0x2  }
0x6b: {  	s0 =	rddreg [dreg:$0x0];
	s2 =	stileid.u32  }
0x6c: {  	s1 =	rddreg [dreg:$0x1];
	p0 =	sne.s32 s2, $0x0  }
0x6d: {  	s3 =	rddreg [dreg:$0x2];
	[bflag:$0x3] =	sbarrier.arrive $0xFFFF;
	s2 =	simm.s32 @!p0 $0x1C02  }
0x6e: {  	[timem:s3], [sflag:s2] =	dma.local @!p0 [hbm:s0], s1  }
0x6f: {  	s0 =	simm.s32 @!p0 $0x2  }
0x70: {  	_ =	swait.ge @!p0 [sflag:s0], s1  }
0x71: {  	s1 =	ssub.s32 @!p0 $0x0, s1;
	[sflag:s0] =	ssyncset.done @!p0 $0x0  }
0x72: {  	[sflag:s0] =	ssyncadd.s32 @!p0 s1  }
0x73: {  	[bflag:$0x3] =	sbarrier.arrive $0xFFFF  }
0x74: {  	_ =	shalt  }

</sc_bundles>
